<compile_context>
chip_gen: v7x
topology: tpu7x:2x2x1
jax: 0.10.2.dev20260603
libtpu: 0.0.44.dev20260713+nightly
codegen_flags: <defaults>
</compile_context>

<pallas_src>
import functools

import jax
import jax.numpy as jnp
from jax import lax
from jax.experimental import pallas as pl
from jax.experimental.pallas import tpu as pltpu
from jax.experimental.pallas import tpu_sc as plsc

B = 16384
K = 32
D = 128

_NC = 2
_NS = 16
_NW = _NC * _NS
_CH = 128


_NBUF = 4


def _sc_gather_body(n_chunks, row_off, table_hbm, idx_hbm, out_hbm, *refs):
    idx_v = refs[0:_NBUF]
    rows_v = refs[_NBUF:2 * _NBUF]
    isem = refs[2 * _NBUF:3 * _NBUF]
    gsem = refs[3 * _NBUF:4 * _NBUF]
    osem = refs[4 * _NBUF:5 * _NBUF]
    wid = lax.axis_index("s") * _NC + lax.axis_index("c")
    obase = wid * (n_chunks * _CH)
    ibase = row_off + obase
    nsteps = n_chunks // _NBUF

    for b in range(_NBUF):
        pltpu.async_copy(idx_hbm.at[pl.ds(ibase + b * _CH, _CH)], idx_v[b],
                         isem[b])

    _LAG = 1

    def step(i, _):
        for b in range(_NBUF):
            c = i * _NBUF + b
            off = obase + c * _CH
            pltpu.make_async_copy(idx_hbm.at[pl.ds(row_off + off, _CH)],
                                  idx_v[b], isem[b]).wait()
            @pl.when(i > 0)
            def _():
                pltpu.make_async_copy(
                    rows_v[b], out_hbm.at[pl.ds(off, _CH)], osem[b]).wait()
            pltpu.async_copy(table_hbm.at[idx_v[b]], rows_v[b], gsem[b])
            pb = (b - _LAG) % _NBUF
            poff = off - _LAG * _CH

            def retire():
                pltpu.make_async_copy(table_hbm.at[idx_v[pb]], rows_v[pb],
                                      gsem[pb]).wait()
                pltpu.async_copy(rows_v[pb], out_hbm.at[pl.ds(poff, _CH)],
                                 osem[pb])
                @pl.when(poff + _NBUF * _CH < obase + n_chunks * _CH)
                def _():
                    pltpu.async_copy(
                        idx_hbm.at[pl.ds(row_off + poff + _NBUF * _CH, _CH)],
                        idx_v[pb], isem[pb])

            if b < _LAG:
                @pl.when(i > 0)
                def _():
                    retire()
            else:
                retire()
        return 0

    lax.fori_loop(0, nsteps, step, 0)

    for j in range(_LAG, 0, -1):
        lb = (_NBUF - j) % _NBUF
        last_off = obase + (n_chunks - j) * _CH
        pltpu.make_async_copy(table_hbm.at[idx_v[lb]], rows_v[lb],
                              gsem[lb]).wait()
        pltpu.async_copy(rows_v[lb], out_hbm.at[pl.ds(last_off, _CH)],
                         osem[lb])
    for b in range(_NBUF):
        pltpu.make_async_copy(rows_v[b], out_hbm.at[pl.ds(obase, _CH)],
                              osem[b]).wait()


@functools.partial(jax.jit, static_argnums=(2, 3, 4))
def _sc_gather(table, idx, n_rows, d, row_off=0):
    per_w = n_rows // _NW
    n_chunks = per_w // _CH
    mesh = plsc.VectorSubcoreMesh(core_axis_name="c", subcore_axis_name="s")
    kern = functools.partial(
        pl.kernel,
        mesh=mesh,
        out_type=jax.ShapeDtypeStruct((n_rows, d), table.dtype),
        scratch_types=(
            [pltpu.VMEM((_CH,), jnp.int32)] * _NBUF
            + [pltpu.VMEM((_CH, d), table.dtype)] * _NBUF
            + [pltpu.SemaphoreType.DMA] * (3 * _NBUF)
        ),
    )(functools.partial(_sc_gather_body, n_chunks, row_off))
    return kern(table, idx)


def _tc_body(bb, acc_ref, e_ref, g_ref, w1a_ref, w1b_ref, b1_ref, w2_ref,
             b2_ref, w3rep_ref, o_ref):
    del acc_ref
    e = e_ref[...]
    g = g_ref[...]
    tg = jnp.dot(g, w1b_ref[...],
                 preferred_element_type=jnp.float32) + b1_ref[...]
    h1 = jnp.dot(e, w1a_ref[...], preferred_element_type=jnp.float32)
    h1 = h1.reshape(bb, K, D) + tg[:, None, :]
    h1 = jnp.maximum(h1, 0.0).reshape(bb * K, D)
    h2 = jnp.dot(h1, w2_ref[...], preferred_element_type=jnp.float32)
    h2 = jnp.maximum(h2 + b2_ref[...], 0.0)
    lg = jnp.dot(h2, w3rep_ref[...], preferred_element_type=jnp.float32)
    ex = jnp.exp(lg).reshape(bb, K, D)
    e3 = e.reshape(bb, K, D)
    num = jnp.sum(ex * e3, axis=1)
    den = jnp.sum(ex, axis=1)
    o_ref[...] = num / den


def _tc_mlp(acc, e_u, g_rep, W1a, W1b, b1, W2, b2, w3rep, nb, g_off, bb=512):
    grid = nb // bb
    goff = g_off // bb
    return pl.pallas_call(
        functools.partial(_tc_body, bb),
        grid=(grid,),
        in_specs=[
            pl.BlockSpec(memory_space=pl.ANY),
            pl.BlockSpec((bb * K, D), lambda i: (i, 0)),
            pl.BlockSpec((bb, D), lambda i: (goff + i, 0)),
            pl.BlockSpec((D, D), lambda i: (0, 0)),
            pl.BlockSpec((D, D), lambda i: (0, 0)),
            pl.BlockSpec((1, D), lambda i: (0, 0)),
            pl.BlockSpec((D, D), lambda i: (0, 0)),
            pl.BlockSpec((1, D), lambda i: (0, 0)),
            pl.BlockSpec((D, D), lambda i: (0, 0)),
        ],
        out_specs=pl.BlockSpec((bb, D), lambda i: (goff + i, 0)),
        out_shape=jax.ShapeDtypeStruct((B, D), jnp.float32),
        input_output_aliases={0: 0},
    )(acc, e_u, g_rep, W1a, W1b, b1, W2, b2, w3rep)


_PARTS = (4096, 4096, 4096, 4096)


def kernel(nodes, to_neighs, u2e, g2e, W1, b1, W2, b2, W3, b3):
    idx_u = to_neighs.reshape(-1).astype(jnp.int32)
    idx_g = nodes.astype(jnp.int32)
    W1a = W1[:D]
    W1b = W1[D:]
    b1r = b1.reshape(1, D)
    b2r = b2.reshape(1, D)
    w3rep = jnp.broadcast_to(W3.reshape(D, 1), (D, D))
    g_rep = _sc_gather(g2e, idx_g, B, D)
    out = jnp.zeros((B, D), jnp.float32)
    start = 0
    for bp in _PARTS:
        e_p = _sc_gather(u2e, idx_u, bp * K, D, start * K)
        out = _tc_mlp(out, e_p, g_rep, W1a, W1b, b1r, W2, b2r, w3rep,
                      bp, start)
        start += bp
    return out

# --- scband reference (transcript-rebuilt; emitter-appended) ---
"""Pipeline reference for scband-member-aggregator-27230092657094 (READ-ONLY COPY).

The authoritative reference and input builder live on the scoring server;
editing this copy changes nothing except your own understanding.
"""

import jax, jax.numpy as jnp
import numpy as np

B = 16384   # number of group nodes in batch
K = 32      # members per group (fixed-size neighbor lists)
D = 128     # embed_dim
NU = 100000 # num users (u2e rows)
NG = 50000  # num groups (g2e rows)


def setup_inputs(seed: int = 0) -> dict:
    key = jax.random.key(seed)
    ks = jax.random.split(key, 12)
    nodes = jax.random.randint(ks[0], (B,), 0, NG)
    to_neighs = jax.random.randint(ks[1], (B, K), 0, NU)
    u2e = jax.random.normal(ks[2], (NU, D), dtype=jnp.float32) * 0.1
    g2e = jax.random.normal(ks[3], (NG, D), dtype=jnp.float32) * 0.1
    # GraphRec-style Attention(embed_dim): Linear(2D->D) -> ReLU -> Linear(D->D) -> ReLU -> Linear(D->1) -> softmax over neighbors
    W1 = jax.random.normal(ks[4], (2 * D, D), dtype=jnp.float32) * (1.0 / np.sqrt(2 * D))
    b1 = jnp.zeros((D,), dtype=jnp.float32)
    W2 = jax.random.normal(ks[5], (D, D), dtype=jnp.float32) * (1.0 / np.sqrt(D))
    b2 = jnp.zeros((D,), dtype=jnp.float32)
    W3 = jax.random.normal(ks[6], (D, 1), dtype=jnp.float32) * (1.0 / np.sqrt(D))
    b3 = jnp.zeros((1,), dtype=jnp.float32)
    return {"nodes": nodes, "to_neighs": to_neighs, "u2e": u2e, "g2e": g2e,
            "W1": W1, "b1": b1, "W2": W2, "b2": b2, "W3": W3, "b3": b3}


def reference(nodes, to_neighs, u2e, g2e, W1, b1, W2, b2, W3, b3):
    # Vectorized form of the per-node python loop in Member_Aggregator.forward
    e_u = jnp.take(u2e, to_neighs, axis=0)            # [B, K, D]  gather member embeddings
    g_rep = jnp.take(g2e, nodes, axis=0)              # [B, D]     gather group embedding
    g_exp = jnp.broadcast_to(g_rep[:, None, :], e_u.shape)  # repeat(num_neighs, 1)
    x = jnp.concatenate([e_u, g_exp], axis=-1)        # [B, K, 2D]
    h = jax.nn.relu(x @ W1 + b1)                      # dropout omitted (eval mode)
    h = jax.nn.relu(h @ W2 + b2)
    logits = h @ W3 + b3                              # [B, K, 1]
    att_w = jax.nn.softmax(logits, axis=1)            # softmax over the K neighbors
    # torch.mm(e_u.t(), att_w).t() == attention-weighted sum of member embeddings
    to_feats = jnp.sum(e_u * att_w, axis=1)           # [B, D]
    return to_feats

if __name__ == "__main__":
    import jax
    _d = setup_inputs()
    print(jax.jit(kernel)(*tuple(_d.values())))

</pallas_src>

<mosaic_0001>
#map = affine_map<(d0, d1) -> (0, 0)>
#map1 = affine_map<(d0, d1) -> (0)>
module attributes {stable_mosaic.version = 14 : i64} {
  func.func @_sc_gather_body(%arg0: i32, %arg1: i32, %arg2: memref<50000x128xf32, #tpu.memory_space<hbm>>, %arg3: memref<16384xi32, #tpu.memory_space<hbm>>, %arg4: memref<16384x128xf32, #tpu.memory_space<hbm>>, %arg5: memref<128xi32, #tpu.memory_space<vmem>>, %arg6: memref<128xi32, #tpu.memory_space<vmem>>, %arg7: memref<128xi32, #tpu.memory_space<vmem>>, %arg8: memref<128xi32, #tpu.memory_space<vmem>>, %arg9: memref<128x128xf32, #tpu.memory_space<vmem>>, %arg10: memref<128x128xf32, #tpu.memory_space<vmem>>, %arg11: memref<128x128xf32, #tpu.memory_space<vmem>>, %arg12: memref<128x128xf32, #tpu.memory_space<vmem>>, %arg13: memref<!tpu.dma_semaphore, #tpu.memory_space<semaphore_mem>>, %arg14: memref<!tpu.dma_semaphore, #tpu.memory_space<semaphore_mem>>, %arg15: memref<!tpu.dma_semaphore, #tpu.memory_space<semaphore_mem>>, %arg16: memref<!tpu.dma_semaphore, #tpu.memory_space<semaphore_mem>>, %arg17: memref<!tpu.dma_semaphore, #tpu.memory_space<semaphore_mem>>, %arg18: memref<!tpu.dma_semaphore, #tpu.memory_space<semaphore_mem>>, %arg19: memref<!tpu.dma_semaphore, #tpu.memory_space<semaphore_mem>>, %arg20: memref<!tpu.dma_semaphore, #tpu.memory_space<semaphore_mem>>, %arg21: memref<!tpu.dma_semaphore, #tpu.memory_space<semaphore_mem>>, %arg22: memref<!tpu.dma_semaphore, #tpu.memory_space<semaphore_mem>>, %arg23: memref<!tpu.dma_semaphore, #tpu.memory_space<semaphore_mem>>, %arg24: memref<!tpu.dma_semaphore, #tpu.memory_space<semaphore_mem>>) attributes {dimension_semantics = [#tpu.dimension_semantics<core_parallel>, #tpu.dimension_semantics<subcore_parallel>], iteration_bounds = array<i64: 2, 16>, scalar_prefetch = 0 : i64, scratch_operands = 20 : i64, tpu.core_type = #tpu.core_type<sc_vector_subcore>, window_params = [{transform_indices = #map}, {transform_indices = #map1}, {transform_indices = #map}]} {
    %mul3A = arith.constant 2 : i32
    %mul3A_0 = arith.muli %arg1, %mul3A : i32
    %add3A = arith.addi %mul3A_0, %arg0 : i32
    %mul3A_1 = arith.constant 512 : i32
    %mul3A_2 = arith.muli %add3A, %mul3A_1 : i32
    %add3A_3 = arith.constant 0 : i32
    %add3A_4 = arith.addi %add3A_3, %mul3A_2 : i32
    %add3A_5 = arith.constant 0 : i32
    %add3A_6 = arith.addi %add3A_4, %add3A_5 : i32
    %dma_start3A = tpu.memref_slice %arg3[%add3A_6] : memref<16384xi32, #tpu.memory_space<hbm>> -> memref<128xi32, #tpu.memory_space<hbm>>
    %dma_start3A_7 = tpu.memref_slice %arg3[%add3A_6] : memref<16384xi32, #tpu.memory_space<hbm>> -> memref<128xi32, #tpu.memory_space<hbm>>
    tpu.enqueue_dma source(%dma_start3A_7 : memref<128xi32, #tpu.memory_space<hbm>>) target(%arg5 : memref<128xi32, #tpu.memory_space<vmem>>) target_semaphore(%arg13 : memref<!tpu.dma_semaphore, #tpu.memory_space<semaphore_mem>>)
    %add3A_8 = arith.constant 128 : i32
    %add3A_9 = arith.addi %add3A_4, %add3A_8 : i32
    %dma_start3A_10 = tpu.memref_slice %arg3[%add3A_9] : memref<16384xi32, #tpu.memory_space<hbm>> -> memref<128xi32, #tpu.memory_space<hbm>>
    %dma_start3A_11 = tpu.memref_slice %arg3[%add3A_9] : memref<16384xi32, #tpu.memory_space<hbm>> -> memref<128xi32, #tpu.memory_space<hbm>>
    tpu.enqueue_dma source(%dma_start3A_11 : memref<128xi32, #tpu.memory_space<hbm>>) target(%arg6 : memref<128xi32, #tpu.memory_space<vmem>>) target_semaphore(%arg14 : memref<!tpu.dma_semaphore, #tpu.memory_space<semaphore_mem>>)
    %add3A_12 = arith.constant 256 : i32
    %add3A_13 = arith.addi %add3A_4, %add3A_12 : i32
    %dma_start3A_14 = tpu.memref_slice %arg3[%add3A_13] : memref<16384xi32, #tpu.memory_space<hbm>> -> memref<128xi32, #tpu.memory_space<hbm>>
    %dma_start3A_15 = tpu.memref_slice %arg3[%add3A_13] : memref<16384xi32, #tpu.memory_space<hbm>> -> memref<128xi32, #tpu.memory_space<hbm>>
    tpu.enqueue_dma source(%dma_start3A_15 : memref<128xi32, #tpu.memory_space<hbm>>) target(%arg7 : memref<128xi32, #tpu.memory_space<vmem>>) target_semaphore(%arg15 : memref<!tpu.dma_semaphore, #tpu.memory_space<semaphore_mem>>)
    %add3A_16 = arith.constant 384 : i32
    %add3A_17 = arith.addi %add3A_4, %add3A_16 : i32
    %dma_start3A_18 = tpu.memref_slice %arg3[%add3A_17] : memref<16384xi32, #tpu.memory_space<hbm>> -> memref<128xi32, #tpu.memory_space<hbm>>
    %dma_start3A_19 = tpu.memref_slice %arg3[%add3A_17] : memref<16384xi32, #tpu.memory_space<hbm>> -> memref<128xi32, #tpu.memory_space<hbm>>
    tpu.enqueue_dma source(%dma_start3A_19 : memref<128xi32, #tpu.memory_space<hbm>>) target(%arg8 : memref<128xi32, #tpu.memory_space<vmem>>) target_semaphore(%arg16 : memref<!tpu.dma_semaphore, #tpu.memory_space<semaphore_mem>>)
    %scan3A = arith.constant 0 : i32
    %scan3A_20 = arith.constant 0 : i32
    %mul3A_21 = arith.constant 4 : i32
    %mul3A_22 = arith.muli %scan3A_20, %mul3A_21 : i32
    %add3A_23 = arith.constant 0 : i32
    %add3A_24 = arith.addi %mul3A_22, %add3A_23 : i32
    %mul3A_25 = arith.constant 128 : i32
    %mul3A_26 = arith.muli %add3A_24, %mul3A_25 : i32
    %add3A_27 = arith.addi %mul3A_2, %mul3A_26 : i32
    %add3A_28 = arith.constant 0 : i32
    %add3A_29 = arith.addi %add3A_28, %add3A_27 : i32
    %dma_wait3A = tpu.memref_slice %arg3[%add3A_29] : memref<16384xi32, #tpu.memory_space<hbm>> -> memref<128xi32, #tpu.memory_space<hbm>>
    %dma_wait3A_30 = tpu.memref_slice %arg3[%add3A_29] : memref<16384xi32, #tpu.memory_space<hbm>> -> memref<128xi32, #tpu.memory_space<hbm>>
    tpu.wait_dma2 semaphore(%arg13 : memref<!tpu.dma_semaphore, #tpu.memory_space<semaphore_mem>>) src(%dma_wait3A_30 : memref<128xi32, #tpu.memory_space<hbm>>) dst(%arg5 : memref<128xi32, #tpu.memory_space<vmem>>)
    %gt3A = arith.constant 0 : i32
    %gt3A_31 = arith.cmpi sgt, %scan3A_20, %gt3A : i32
    %convert_element_type3A = arith.extui %gt3A_31 : i1 to i32
    %cond3A = arith.constant 0 : i32
    %cond3A_32 = arith.cmpi ne, %convert_element_type3A, %cond3A : i32
    scf.if %cond3A_32 {
      %dma_wait3A_176 = arith.constant 0 : i32
      %dma_wait3A_177 = tpu.memref_slice %arg4[%add3A_27, %dma_wait3A_176] : memref<16384x128xf32, #tpu.memory_space<hbm>> -> memref<128x128xf32, #tpu.memory_space<hbm>>
      %dma_wait3A_178 = arith.constant 0 : i32
      %dma_wait3A_179 = tpu.memref_slice %arg4[%add3A_27, %dma_wait3A_178] : memref<16384x128xf32, #tpu.memory_space<hbm>> -> memref<128x128xf32, #tpu.memory_space<hbm>>
      tpu.wait_dma2 semaphore(%arg21 : memref<!tpu.dma_semaphore, #tpu.memory_space<semaphore_mem>>) src(%arg9 : memref<128x128xf32, #tpu.memory_space<vmem>>) dst(%dma_wait3A_179 : memref<128x128xf32, #tpu.memory_space<hbm>>)
    } else {
    }
    %dma_start3A_33 = arith.constant 0 : i32
    %dma_start3A_34 = arith.constant 0 : i32
    %dma_start3A_35 = tpu.memref_slice %arg2[%dma_start3A_33, %dma_start3A_34] : memref<50000x128xf32, #tpu.memory_space<hbm>> -> memref<50000x128xf32, #tpu.memory_space<hbm>>
    tpu.enqueue_indirect_dma source(%dma_start3A_35 : memref<50000x128xf32, #tpu.memory_space<hbm>>) target(%arg9 : memref<128x128xf32, #tpu.memory_space<vmem>>) offsets(%arg5 : memref<128xi32, #tpu.memory_space<vmem>>) semaphore(%arg17 : memref<!tpu.dma_semaphore, #tpu.memory_space<semaphore_mem>>)
    %sub3A = arith.constant 128 : i32
    %sub3A_36 = arith.subi %add3A_27, %sub3A : i32
    %gt3A_37 = arith.constant 0 : i32
    %gt3A_38 = arith.cmpi sgt, %scan3A_20, %gt3A_37 : i32
    %convert_element_type3A_39 = arith.extui %gt3A_38 : i1 to i32
    %cond3A_40 = arith.constant 0 : i32
    %cond3A_41 = arith.cmpi ne, %convert_element_type3A_39, %cond3A_40 : i32
    scf.if %cond3A_41 {
      %dma_wait3A_176 = arith.constant 0 : i32
      %dma_wait3A_177 = arith.constant 0 : i32
      %dma_wait3A_178 = tpu.memref_slice %arg2[%dma_wait3A_176, %dma_wait3A_177] : memref<50000x128xf32, #tpu.memory_space<hbm>> -> memref<50000x128xf32, #tpu.memory_space<hbm>>
      tpu.wait_indirect_dma semaphore(%arg20 : memref<!tpu.dma_semaphore, #tpu.memory_space<semaphore_mem>>) src(%dma_wait3A_178 : memref<50000x128xf32, #tpu.memory_space<hbm>>) dst(%arg12 : memref<128x128xf32, #tpu.memory_space<vmem>>)
      %dma_start3A_179 = arith.constant 0 : i32
      %dma_start3A_180 = tpu.memref_slice %arg4[%sub3A_36, %dma_start3A_179] : memref<16384x128xf32, #tpu.memory_space<hbm>> -> memref<128x128xf32, #tpu.memory_space<hbm>>
      %dma_start3A_181 = arith.constant 0 : i32
      %dma_start3A_182 = tpu.memref_slice %arg4[%sub3A_36, %dma_start3A_181] : memref<16384x128xf32, #tpu.memory_space<hbm>> -> memref<128x128xf32, #tpu.memory_space<hbm>>
      tpu.enqueue_dma source(%arg12 : memref<128x128xf32, #tpu.memory_space<vmem>>) target(%dma_start3A_182 : memref<128x128xf32, #tpu.memory_space<hbm>>) target_semaphore(%arg24 : memref<!tpu.dma_semaphore, #tpu.memory_space<semaphore_mem>>)
      %add3A_183 = arith.constant 512 : i32
      %add3A_184 = arith.addi %sub3A_36, %add3A_183 : i32
      %add3A_185 = arith.constant 512 : i32
      %add3A_186 = arith.addi %mul3A_2, %add3A_185 : i32
      %lt3A_187 = arith.cmpi slt, %add3A_184, %add3A_186 : i32
      %convert_element_type3A_188 = arith.extui %lt3A_187 : i1 to i32
      %cond3A_189 = arith.constant 0 : i32
      %cond3A_190 = arith.cmpi ne, %convert_element_type3A_188, %cond3A_189 : i32
      scf.if %cond3A_190 {
        %add3A_191 = arith.constant 0 : i32
        %add3A_192 = arith.addi %add3A_191, %sub3A_36 : i32
        %add3A_193 = arith.constant 512 : i32
        %add3A_194 = arith.addi %add3A_192, %add3A_193 : i32
        %dma_start3A_195 = tpu.memref_slice %arg3[%add3A_194] : memref<16384xi32, #tpu.memory_space<hbm>> -> memref<128xi32, #tpu.memory_space<hbm>>
        %dma_start3A_196 = tpu.memref_slice %arg3[%add3A_194] : memref<16384xi32, #tpu.memory_space<hbm>> -> memref<128xi32, #tpu.memory_space<hbm>>
        tpu.enqueue_dma source(%dma_start3A_196 : memref<128xi32, #tpu.memory_space<hbm>>) target(%arg8 : memref<128xi32, #tpu.memory_space<vmem>>) target_semaphore(%arg16 : memref<!tpu.dma_semaphore, #tpu.memory_space<semaphore_mem>>)
      } else {
      }
    } else {
    }
    %mul3A_42 = arith.constant 4 : i32
    %mul3A_43 = arith.muli %scan3A_20, %mul3A_42 : i32
    %add3A_44 = arith.constant 1 : i32
    %add3A_45 = arith.addi %mul3A_43, %add3A_44 : i32
    %mul3A_46 = arith.constant 128 : i32
    %mul3A_47 = arith.muli %add3A_45, %mul3A_46 : i32
    %add3A_48 = arith.addi %mul3A_2, %mul3A_47 : i32
    %add3A_49 = arith.constant 0 : i32
    %add3A_50 = arith.addi %add3A_49, %add3A_48 : i32
    %dma_wait3A_51 = tpu.memref_slice %arg3[%add3A_50] : memref<16384xi32, #tpu.memory_space<hbm>> -> memref<128xi32, #tpu.memory_space<hbm>>
    %dma_wait3A_52 = tpu.memref_slice %arg3[%add3A_50] : memref<16384xi32, #tpu.memory_space<hbm>> -> memref<128xi32, #tpu.memory_space<hbm>>
    tpu.wait_dma2 semaphore(%arg14 : memref<!tpu.dma_semaphore, #tpu.memory_space<semaphore_mem>>) src(%dma_wait3A_52 : memref<128xi32, #tpu.memory_space<hbm>>) dst(%arg6 : memref<128xi32, #tpu.memory_space<vmem>>)
    %gt3A_53 = arith.constant 0 : i32
    %gt3A_54 = arith.cmpi sgt, %scan3A_20, %gt3A_53 : i32
    %convert_element_type3A_55 = arith.extui %gt3A_54 : i1 to i32
    %cond3A_56 = arith.constant 0 : i32
    %cond3A_57 = arith.cmpi ne, %convert_element_type3A_55, %cond3A_56 : i32
    scf.if %cond3A_57 {
      %dma_wait3A_176 = arith.constant 0 : i32
      %dma_wait3A_177 = tpu.memref_slice %arg4[%add3A_48, %dma_wait3A_176] : memref<16384x128xf32, #tpu.memory_space<hbm>> -> memref<128x128xf32, #tpu.memory_space<hbm>>
      %dma_wait3A_178 = arith.constant 0 : i32
      %dma_wait3A_179 = tpu.memref_slice %arg4[%add3A_48, %dma_wait3A_178] : memref<16384x128xf32, #tpu.memory_space<hbm>> -> memref<128x128xf32, #tpu.memory_space<hbm>>
      tpu.wait_dma2 semaphore(%arg22 : memref<!tpu.dma_semaphore, #tpu.memory_space<semaphore_mem>>) src(%arg10 : memref<128x128xf32, #tpu.memory_space<vmem>>) dst(%dma_wait3A_179 : memref<128x128xf32, #tpu.memory_space<hbm>>)
    } else {
    }
    %dma_start3A_58 = arith.constant 0 : i32
    %dma_start3A_59 = arith.constant 0 : i32
    %dma_start3A_60 = tpu.memref_slice %arg2[%dma_start3A_58, %dma_start3A_59] : memref<50000x128xf32, #tpu.memory_space<hbm>> -> memref<50000x128xf32, #tpu.memory_space<hbm>>
    tpu.enqueue_indirect_dma source(%dma_start3A_60 : memref<50000x128xf32, #tpu.memory_space<hbm>>) target(%arg10 : memref<128x128xf32, #tpu.memory_space<vmem>>) offsets(%arg6 : memref<128xi32, #tpu.memory_space<vmem>>) semaphore(%arg18 : memref<!tpu.dma_semaphore, #tpu.memory_space<semaphore_mem>>)
    %sub3A_61 = arith.constant 128 : i32
    %sub3A_62 = arith.subi %add3A_48, %sub3A_61 : i32
    %dma_wait3A_63 = arith.constant 0 : i32
    %dma_wait3A_64 = arith.constant 0 : i32
    %dma_wait3A_65 = tpu.memref_slice %arg2[%dma_wait3A_63, %dma_wait3A_64] : memref<50000x128xf32, #tpu.memory_space<hbm>> -> memref<50000x128xf32, #tpu.memory_space<hbm>>
    tpu.wait_indirect_dma semaphore(%arg17 : memref<!tpu.dma_semaphore, #tpu.memory_space<semaphore_mem>>) src(%dma_wait3A_65 : memref<50000x128xf32, #tpu.memory_space<hbm>>) dst(%arg9 : memref<128x128xf32, #tpu.memory_space<vmem>>)
    %dma_start3A_66 = arith.constant 0 : i32
    %dma_start3A_67 = tpu.memref_slice %arg4[%sub3A_62, %dma_start3A_66] : memref<16384x128xf32, #tpu.memory_space<hbm>> -> memref<128x128xf32, #tpu.memory_space<hbm>>
    %dma_start3A_68 = arith.constant 0 : i32
    %dma_start3A_69 = tpu.memref_slice %arg4[%sub3A_62, %dma_start3A_68] : memref<16384x128xf32, #tpu.memory_space<hbm>> -> memref<128x128xf32, #tpu.memory_space<hbm>>
    tpu.enqueue_dma source(%arg9 : memref<128x128xf32, #tpu.memory_space<vmem>>) target(%dma_start3A_69 : memref<128x128xf32, #tpu.memory_space<hbm>>) target_semaphore(%arg21 : memref<!tpu.dma_semaphore, #tpu.memory_space<semaphore_mem>>)
    %add3A_70 = arith.constant 512 : i32
    %add3A_71 = arith.addi %sub3A_62, %add3A_70 : i32
    %add3A_72 = arith.constant 512 : i32
    %add3A_73 = arith.addi %mul3A_2, %add3A_72 : i32
    %lt3A = arith.cmpi slt, %add3A_71, %add3A_73 : i32
    %convert_element_type3A_74 = arith.extui %lt3A : i1 to i32
    %cond3A_75 = arith.constant 0 : i32
    %cond3A_76 = arith.cmpi ne, %convert_element_type3A_74, %cond3A_75 : i32
    scf.if %cond3A_76 {
      %add3A_176 = arith.constant 0 : i32
      %add3A_177 = arith.addi %add3A_176, %sub3A_62 : i32
      %add3A_178 = arith.constant 512 : i32
      %add3A_179 = arith.addi %add3A_177, %add3A_178 : i32
      %dma_start3A_180 = tpu.memref_slice %arg3[%add3A_179] : memref<16384xi32, #tpu.memory_space<hbm>> -> memref<128xi32, #tpu.memory_space<hbm>>
      %dma_start3A_181 = tpu.memref_slice %arg3[%add3A_179] : memref<16384xi32, #tpu.memory_space<hbm>> -> memref<128xi32, #tpu.memory_space<hbm>>
      tpu.enqueue_dma source(%dma_start3A_181 : memref<128xi32, #tpu.memory_space<hbm>>) target(%arg5 : memref<128xi32, #tpu.memory_space<vmem>>) target_semaphore(%arg13 : memref<!tpu.dma_semaphore, #tpu.memory_space<semaphore_mem>>)
    } else {
    }
    %mul3A_77 = arith.constant 4 : i32
    %mul3A_78 = arith.muli %scan3A_20, %mul3A_77 : i32
    %add3A_79 = arith.constant 2 : i32
    %add3A_80 = arith.addi %mul3A_78, %add3A_79 : i32
    %mul3A_81 = arith.constant 128 : i32
    %mul3A_82 = arith.muli %add3A_80, %mul3A_81 : i32
    %add3A_83 = arith.addi %mul3A_2, %mul3A_82 : i32
    %add3A_84 = arith.constant 0 : i32
    %add3A_85 = arith.addi %add3A_84, %add3A_83 : i32
    %dma_wait3A_86 = tpu.memref_slice %arg3[%add3A_85] : memref<16384xi32, #tpu.memory_space<hbm>> -> memref<128xi32, #tpu.memory_space<hbm>>
    %dma_wait3A_87 = tpu.memref_slice %arg3[%add3A_85] : memref<16384xi32, #tpu.memory_space<hbm>> -> memref<128xi32, #tpu.memory_space<hbm>>
    tpu.wait_dma2 semaphore(%arg15 : memref<!tpu.dma_semaphore, #tpu.memory_space<semaphore_mem>>) src(%dma_wait3A_87 : memref<128xi32, #tpu.memory_space<hbm>>) dst(%arg7 : memref<128xi32, #tpu.memory_space<vmem>>)
    %gt3A_88 = arith.constant 0 : i32
    %gt3A_89 = arith.cmpi sgt, %scan3A_20, %gt3A_88 : i32
    %convert_element_type3A_90 = arith.extui %gt3A_89 : i1 to i32
    %cond3A_91 = arith.constant 0 : i32
    %cond3A_92 = arith.cmpi ne, %convert_element_type3A_90, %cond3A_91 : i32
    scf.if %cond3A_92 {
      %dma_wait3A_176 = arith.constant 0 : i32
      %dma_wait3A_177 = tpu.memref_slice %arg4[%add3A_83, %dma_wait3A_176] : memref<16384x128xf32, #tpu.memory_space<hbm>> -> memref<128x128xf32, #tpu.memory_space<hbm>>
      %dma_wait3A_178 = arith.constant 0 : i32
      %dma_wait3A_179 = tpu.memref_slice %arg4[%add3A_83, %dma_wait3A_178] : memref<16384x128xf32, #tpu.memory_space<hbm>> -> memref<128x128xf32, #tpu.memory_space<hbm>>
      tpu.wait_dma2 semaphore(%arg23 : memref<!tpu.dma_semaphore, #tpu.memory_space<semaphore_mem>>) src(%arg11 : memref<128x128xf32, #tpu.memory_space<vmem>>) dst(%dma_wait3A_179 : memref<128x128xf32, #tpu.memory_space<hbm>>)
    } else {
    }
    %dma_start3A_93 = arith.constant 0 : i32
    %dma_start3A_94 = arith.constant 0 : i32
    %dma_start3A_95 = tpu.memref_slice %arg2[%dma_start3A_93, %dma_start3A_94] : memref<50000x128xf32, #tpu.memory_space<hbm>> -> memref<50000x128xf32, #tpu.memory_space<hbm>>
    tpu.enqueue_indirect_dma source(%dma_start3A_95 : memref<50000x128xf32, #tpu.memory_space<hbm>>) target(%arg11 : memref<128x128xf32, #tpu.memory_space<vmem>>) offsets(%arg7 : memref<128xi32, #tpu.memory_space<vmem>>) semaphore(%arg19 : memref<!tpu.dma_semaphore, #tpu.memory_space<semaphore_mem>>)
    %sub3A_96 = arith.constant 128 : i32
    %sub3A_97 = arith.subi %add3A_83, %sub3A_96 : i32
    %dma_wait3A_98 = arith.constant 0 : i32
    %dma_wait3A_99 = arith.constant 0 : i32
    %dma_wait3A_100 = tpu.memref_slice %arg2[%dma_wait3A_98, %dma_wait3A_99] : memref<50000x128xf32, #tpu.memory_space<hbm>> -> memref<50000x128xf32, #tpu.memory_space<hbm>>
    tpu.wait_indirect_dma semaphore(%arg18 : memref<!tpu.dma_semaphore, #tpu.memory_space<semaphore_mem>>) src(%dma_wait3A_100 : memref<50000x128xf32, #tpu.memory_space<hbm>>) dst(%arg10 : memref<128x128xf32, #tpu.memory_space<vmem>>)
    %dma_start3A_101 = arith.constant 0 : i32
    %dma_start3A_102 = tpu.memref_slice %arg4[%sub3A_97, %dma_start3A_101] : memref<16384x128xf32, #tpu.memory_space<hbm>> -> memref<128x128xf32, #tpu.memory_space<hbm>>
    %dma_start3A_103 = arith.constant 0 : i32
    %dma_start3A_104 = tpu.memref_slice %arg4[%sub3A_97, %dma_start3A_103] : memref<16384x128xf32, #tpu.memory_space<hbm>> -> memref<128x128xf32, #tpu.memory_space<hbm>>
    tpu.enqueue_dma source(%arg10 : memref<128x128xf32, #tpu.memory_space<vmem>>) target(%dma_start3A_104 : memref<128x128xf32, #tpu.memory_space<hbm>>) target_semaphore(%arg22 : memref<!tpu.dma_semaphore, #tpu.memory_space<semaphore_mem>>)
    %add3A_105 = arith.constant 512 : i32
    %add3A_106 = arith.addi %sub3A_97, %add3A_105 : i32
    %add3A_107 = arith.constant 512 : i32
    %add3A_108 = arith.addi %mul3A_2, %add3A_107 : i32
    %lt3A_109 = arith.cmpi slt, %add3A_106, %add3A_108 : i32
    %convert_element_type3A_110 = arith.extui %lt3A_109 : i1 to i32
    %cond3A_111 = arith.constant 0 : i32
    %cond3A_112 = arith.cmpi ne, %convert_element_type3A_110, %cond3A_111 : i32
    scf.if %cond3A_112 {
      %add3A_176 = arith.constant 0 : i32
      %add3A_177 = arith.addi %add3A_176, %sub3A_97 : i32
      %add3A_178 = arith.constant 512 : i32
      %add3A_179 = arith.addi %add3A_177, %add3A_178 : i32
      %dma_start3A_180 = tpu.memref_slice %arg3[%add3A_179] : memref<16384xi32, #tpu.memory_space<hbm>> -> memref<128xi32, #tpu.memory_space<hbm>>
      %dma_start3A_181 = tpu.memref_slice %arg3[%add3A_179] : memref<16384xi32, #tpu.memory_space<hbm>> -> memref<128xi32, #tpu.memory_space<hbm>>
      tpu.enqueue_dma source(%dma_start3A_181 : memref<128xi32, #tpu.memory_space<hbm>>) target(%arg6 : memref<128xi32, #tpu.memory_space<vmem>>) target_semaphore(%arg14 : memref<!tpu.dma_semaphore, #tpu.memory_space<semaphore_mem>>)
    } else {
    }
    %mul3A_113 = arith.constant 4 : i32
    %mul3A_114 = arith.muli %scan3A_20, %mul3A_113 : i32
    %add3A_115 = arith.constant 3 : i32
    %add3A_116 = arith.addi %mul3A_114, %add3A_115 : i32
    %mul3A_117 = arith.constant 128 : i32
    %mul3A_118 = arith.muli %add3A_116, %mul3A_117 : i32
    %add3A_119 = arith.addi %mul3A_2, %mul3A_118 : i32
    %add3A_120 = arith.constant 0 : i32
    %add3A_121 = arith.addi %add3A_120, %add3A_119 : i32
    %dma_wait3A_122 = tpu.memref_slice %arg3[%add3A_121] : memref<16384xi32, #tpu.memory_space<hbm>> -> memref<128xi32, #tpu.memory_space<hbm>>
    %dma_wait3A_123 = tpu.memref_slice %arg3[%add3A_121] : memref<16384xi32, #tpu.memory_space<hbm>> -> memref<128xi32, #tpu.memory_space<hbm>>
    tpu.wait_dma2 semaphore(%arg16 : memref<!tpu.dma_semaphore, #tpu.memory_space<semaphore_mem>>) src(%dma_wait3A_123 : memref<128xi32, #tpu.memory_space<hbm>>) dst(%arg8 : memref<128xi32, #tpu.memory_space<vmem>>)
    %gt3A_124 = arith.constant 0 : i32
    %gt3A_125 = arith.cmpi sgt, %scan3A_20, %gt3A_124 : i32
    %convert_element_type3A_126 = arith.extui %gt3A_125 : i1 to i32
    %cond3A_127 = arith.constant 0 : i32
    %cond3A_128 = arith.cmpi ne, %convert_element_type3A_126, %cond3A_127 : i32
    scf.if %cond3A_128 {
      %dma_wait3A_176 = arith.constant 0 : i32
      %dma_wait3A_177 = tpu.memref_slice %arg4[%add3A_119, %dma_wait3A_176] : memref<16384x128xf32, #tpu.memory_space<hbm>> -> memref<128x128xf32, #tpu.memory_space<hbm>>
      %dma_wait3A_178 = arith.constant 0 : i32
      %dma_wait3A_179 = tpu.memref_slice %arg4[%add3A_119, %dma_wait3A_178] : memref<16384x128xf32, #tpu.memory_space<hbm>> -> memref<128x128xf32, #tpu.memory_space<hbm>>
      tpu.wait_dma2 semaphore(%arg24 : memref<!tpu.dma_semaphore, #tpu.memory_space<semaphore_mem>>) src(%arg12 : memref<128x128xf32, #tpu.memory_space<vmem>>) dst(%dma_wait3A_179 : memref<128x128xf32, #tpu.memory_space<hbm>>)
    } else {
    }
    %dma_start3A_129 = arith.constant 0 : i32
    %dma_start3A_130 = arith.constant 0 : i32
    %dma_start3A_131 = tpu.memref_slice %arg2[%dma_start3A_129, %dma_start3A_130] : memref<50000x128xf32, #tpu.memory_space<hbm>> -> memref<50000x128xf32, #tpu.memory_space<hbm>>
    tpu.enqueue_indirect_dma source(%dma_start3A_131 : memref<50000x128xf32, #tpu.memory_space<hbm>>) target(%arg12 : memref<128x128xf32, #tpu.memory_space<vmem>>) offsets(%arg8 : memref<128xi32, #tpu.memory_space<vmem>>) semaphore(%arg20 : memref<!tpu.dma_semaphore, #tpu.memory_space<semaphore_mem>>)
    %sub3A_132 = arith.constant 128 : i32
    %sub3A_133 = arith.subi %add3A_119, %sub3A_132 : i32
    %dma_wait3A_134 = arith.constant 0 : i32
    %dma_wait3A_135 = arith.constant 0 : i32
    %dma_wait3A_136 = tpu.memref_slice %arg2[%dma_wait3A_134, %dma_wait3A_135] : memref<50000x128xf32, #tpu.memory_space<hbm>> -> memref<50000x128xf32, #tpu.memory_space<hbm>>
    tpu.wait_indirect_dma semaphore(%arg19 : memref<!tpu.dma_semaphore, #tpu.memory_space<semaphore_mem>>) src(%dma_wait3A_136 : memref<50000x128xf32, #tpu.memory_space<hbm>>) dst(%arg11 : memref<128x128xf32, #tpu.memory_space<vmem>>)
    %dma_start3A_137 = arith.constant 0 : i32
    %dma_start3A_138 = tpu.memref_slice %arg4[%sub3A_133, %dma_start3A_137] : memref<16384x128xf32, #tpu.memory_space<hbm>> -> memref<128x128xf32, #tpu.memory_space<hbm>>
    %dma_start3A_139 = arith.constant 0 : i32
    %dma_start3A_140 = tpu.memref_slice %arg4[%sub3A_133, %dma_start3A_139] : memref<16384x128xf32, #tpu.memory_space<hbm>> -> memref<128x128xf32, #tpu.memory_space<hbm>>
    tpu.enqueue_dma source(%arg11 : memref<128x128xf32, #tpu.memory_space<vmem>>) target(%dma_start3A_140 : memref<128x128xf32, #tpu.memory_space<hbm>>) target_semaphore(%arg23 : memref<!tpu.dma_semaphore, #tpu.memory_space<semaphore_mem>>)
    %add3A_141 = arith.constant 512 : i32
    %add3A_142 = arith.addi %sub3A_133, %add3A_141 : i32
    %add3A_143 = arith.constant 512 : i32
    %add3A_144 = arith.addi %mul3A_2, %add3A_143 : i32
    %lt3A_145 = arith.cmpi slt, %add3A_142, %add3A_144 : i32
    %convert_element_type3A_146 = arith.extui %lt3A_145 : i1 to i32
    %cond3A_147 = arith.constant 0 : i32
    %cond3A_148 = arith.cmpi ne, %convert_element_type3A_146, %cond3A_147 : i32
    scf.if %cond3A_148 {
      %add3A_176 = arith.constant 0 : i32
      %add3A_177 = arith.addi %add3A_176, %sub3A_133 : i32
      %add3A_178 = arith.constant 512 : i32
      %add3A_179 = arith.addi %add3A_177, %add3A_178 : i32
      %dma_start3A_180 = tpu.memref_slice %arg3[%add3A_179] : memref<16384xi32, #tpu.memory_space<hbm>> -> memref<128xi32, #tpu.memory_space<hbm>>
      %dma_start3A_181 = tpu.memref_slice %arg3[%add3A_179] : memref<16384xi32, #tpu.memory_space<hbm>> -> memref<128xi32, #tpu.memory_space<hbm>>
      tpu.enqueue_dma source(%dma_start3A_181 : memref<128xi32, #tpu.memory_space<hbm>>) target(%arg7 : memref<128xi32, #tpu.memory_space<vmem>>) target_semaphore(%arg15 : memref<!tpu.dma_semaphore, #tpu.memory_space<semaphore_mem>>)
    } else {
    }
    %scan3A_149 = arith.constant 0 : i32
    %scan3A_150 = arith.constant 1 : i32
    %add3A_151 = arith.constant 384 : i32
    %add3A_152 = arith.addi %mul3A_2, %add3A_151 : i32
    %dma_wait3A_153 = arith.constant 0 : i32
    %dma_wait3A_154 = arith.constant 0 : i32
    %dma_wait3A_155 = tpu.memref_slice %arg2[%dma_wait3A_153, %dma_wait3A_154] : memref<50000x128xf32, #tpu.memory_space<hbm>> -> memref<50000x128xf32, #tpu.memory_space<hbm>>
    tpu.wait_indirect_dma semaphore(%arg20 : memref<!tpu.dma_semaphore, #tpu.memory_space<semaphore_mem>>) src(%dma_wait3A_155 : memref<50000x128xf32, #tpu.memory_space<hbm>>) dst(%arg12 : memref<128x128xf32, #tpu.memory_space<vmem>>)
    %dma_start3A_156 = arith.constant 0 : i32
    %dma_start3A_157 = tpu.memref_slice %arg4[%add3A_152, %dma_start3A_156] : memref<16384x128xf32, #tpu.memory_space<hbm>> -> memref<128x128xf32, #tpu.memory_space<hbm>>
    %dma_start3A_158 = arith.constant 0 : i32
    %dma_start3A_159 = tpu.memref_slice %arg4[%add3A_152, %dma_start3A_158] : memref<16384x128xf32, #tpu.memory_space<hbm>> -> memref<128x128xf32, #tpu.memory_space<hbm>>
    tpu.enqueue_dma source(%arg12 : memref<128x128xf32, #tpu.memory_space<vmem>>) target(%dma_start3A_159 : memref<128x128xf32, #tpu.memory_space<hbm>>) target_semaphore(%arg24 : memref<!tpu.dma_semaphore, #tpu.memory_space<semaphore_mem>>)
    %dma_wait3A_160 = arith.constant 0 : i32
    %dma_wait3A_161 = tpu.memref_slice %arg4[%mul3A_2, %dma_wait3A_160] : memref<16384x128xf32, #tpu.memory_space<hbm>> -> memref<128x128xf32, #tpu.memory_space<hbm>>
    %dma_wait3A_162 = arith.constant 0 : i32
    %dma_wait3A_163 = tpu.memref_slice %arg4[%mul3A_2, %dma_wait3A_162] : memref<16384x128xf32, #tpu.memory_space<hbm>> -> memref<128x128xf32, #tpu.memory_space<hbm>>
    tpu.wait_dma2 semaphore(%arg21 : memref<!tpu.dma_semaphore, #tpu.memory_space<semaphore_mem>>) src(%arg9 : memref<128x128xf32, #tpu.memory_space<vmem>>) dst(%dma_wait3A_163 : memref<128x128xf32, #tpu.memory_space<hbm>>)
    %dma_wait3A_164 = arith.constant 0 : i32
    %dma_wait3A_165 = tpu.memref_slice %arg4[%mul3A_2, %dma_wait3A_164] : memref<16384x128xf32, #tpu.memory_space<hbm>> -> memref<128x128xf32, #tpu.memory_space<hbm>>
    %dma_wait3A_166 = arith.constant 0 : i32
    %dma_wait3A_167 = tpu.memref_slice %arg4[%mul3A_2, %dma_wait3A_166] : memref<16384x128xf32, #tpu.memory_space<hbm>> -> memref<128x128xf32, #tpu.memory_space<hbm>>
    tpu.wait_dma2 semaphore(%arg22 : memref<!tpu.dma_semaphore, #tpu.memory_space<semaphore_mem>>) src(%arg10 : memref<128x128xf32, #tpu.memory_space<vmem>>) dst(%dma_wait3A_167 : memref<128x128xf32, #tpu.memory_space<hbm>>)
    %dma_wait3A_168 = arith.constant 0 : i32
    %dma_wait3A_169 = tpu.memref_slice %arg4[%mul3A_2, %dma_wait3A_168] : memref<16384x128xf32, #tpu.memory_space<hbm>> -> memref<128x128xf32, #tpu.memory_space<hbm>>
    %dma_wait3A_170 = arith.constant 0 : i32
    %dma_wait3A_171 = tpu.memref_slice %arg4[%mul3A_2, %dma_wait3A_170] : memref<16384x128xf32, #tpu.memory_space<hbm>> -> memref<128x128xf32, #tpu.memory_space<hbm>>
    tpu.wait_dma2 semaphore(%arg23 : memref<!tpu.dma_semaphore, #tpu.memory_space<semaphore_mem>>) src(%arg11 : memref<128x128xf32, #tpu.memory_space<vmem>>) dst(%dma_wait3A_171 : memref<128x128xf32, #tpu.memory_space<hbm>>)
    %dma_wait3A_172 = arith.constant 0 : i32
    %dma_wait3A_173 = tpu.memref_slice %arg4[%mul3A_2, %dma_wait3A_172] : memref<16384x128xf32, #tpu.memory_space<hbm>> -> memref<128x128xf32, #tpu.memory_space<hbm>>
    %dma_wait3A_174 = arith.constant 0 : i32
    %dma_wait3A_175 = tpu.memref_slice %arg4[%mul3A_2, %dma_wait3A_174] : memref<16384x128xf32, #tpu.memory_space<hbm>> -> memref<128x128xf32, #tpu.memory_space<hbm>>
    tpu.wait_dma2 semaphore(%arg24 : memref<!tpu.dma_semaphore, #tpu.memory_space<semaphore_mem>>) src(%arg12 : memref<128x128xf32, #tpu.memory_space<vmem>>) dst(%dma_wait3A_175 : memref<128x128xf32, #tpu.memory_space<hbm>>)
    return
  }
}

</mosaic_0001>

<sc_bundles>
// kernel: _sc_gather.3.cloned.1.call-start
scs
__scs_entry_jumppad:
0x0: {  	(pc) =	sbr.rel $0x88, $3  }
0x1: {  	(tag) =	ssettag $0x0;
	lr =	simm.s32 $0x1  }
0x2: {  	[smem:$0x3F9F] =	sst lr;
	_ =	strace $0xD0000000  }
0x3: {  	_ = 	snop  }
0x4: {  	_ = 	snop  }
0x5: {  	_ = 	snop  }
0x6: {  	_ = 	snop  }
0x7: {  	_ = 	snop  }
__scs_overlays_trampoline_lowered:
0x8: {  	[smem:$0x3FAE] =	sst s0  }
0x9: {  	[smem:$0x3FAF] =	sst s1  }
0xa: {  	[smem:$0x3FB0] =	sst s2  }
0xb: {  	[smem:$0x3FB1] =	sst s3  }
0xc: {  	[smem:$0x3FB2] =	sst s4  }
0xd: {  	[smem:$0x3FB3] =	sst s5  }
0xe: {  	[smem:$0x3FB4] =	sst s6  }
0xf: {  	[smem:$0x3FB5] =	sst s7  }
0x10: {  	[smem:$0x3FB6] =	sst s8  }
0x11: {  	[smem:$0x3FB7] =	sst s9;
	s0 =	simm.s32 @!p0 $0x0  }
0x12: {  	s1 =	sld [smem:$0x3F9D];
	s0 =	simm.s32 @p0 $0x1  }
0x13: {  	[smem:$0x3FB8] =	sst s0;
	s0 =	simm.s32 @!p1 $0x0  }
0x14: {  	s2 =	sld [smem:$0x3F9C];
	s0 =	simm.s32 @p1 $0x1  }
0x15: {  	[smem:$0x3FB9] =	sst s0;
	s0 =	simm.s32 @!p2 $0x0  }
0x16: {  	s3 =	sld [smem:$0x3FDB];
	s0 =	simm.s32 @p2 $0x1  }
0x17: {  	s4 =	simm.s32 $0x1BF5;
	[smem:$0x3FBB] =	sst s0  }
0x18: {  	s0 =	sld [smem:$0x3F9E];
	_ =	swait.ge [sflag:s4], $0x0  }
0x19: {  	s7 =	sld [smem:$0x3F9F]  }
0x1a: {  	s8 =	sadd.s32 $0xFFFFE003, lr  }
0x1b: {  	s9 =	sadd.s32 $0xFFFFFEF7, lr;
	s5 =	simm.s32 $0xFFFFFFFF;
	p2 =	slt.u32 s8, $0xFFFFF086  }
0x1c: {  	p1 =	slt.u32 s9, $0xF7A;
	s5 =	simm.s32 @!p2 $0x0  }
0x1d: {  	s5 =	simm.s32 @p1 $0x1;
	p0 =	seq.s32 s7, s2  }
0x1e: {  	s7 =	smul.u32 @!p0 $0xF7A, s2;
	p2 =	seq.s32 @!p0 s5, $0x0  }
0x1f: {  	s9 =	smul.u32 $0xF7A, s1;
	s8 =	simm.s32 @!p0 $0x1BF5;
	p2 =	por !p2, p0  }
0x20: {  	[sflag:s8] =	ssyncset.s32 @!p0 $0xFFFFF086;
	s6 =	sadd.s32 @!p0 s3, s7;
	s7 =	simm.s32 @!p0 $0x108  }
0x21: {  	s3 =	sadd.s32 s3, s9;
	s6 =	sadd.s32 @!p0 $0x88, s6;
	s7 =	simm.s32 @p2 $0x1082  }
0x22: {  	[simem:s7], [sflag:s8] =	dma.local @!p0 [hbm:s6], $0xF7A  }
0x23: {  	s9 =	sor.u32 $0xD0000000, s2;
	s6 =	simm.s32 $0x108;
	_ =	swait.ge @!p0 [sflag:s8], $0x0  }
0x24: {  	s3 =	sadd.s32 $0x88, s3;
	s6 =	simm.s32 @!p1 $0x1082;
	[sflag:s4] =	ssyncset.s32 $0xFFFFF086  }
0x25: {  	[simem:s6], [sflag:s4] =	dma.local [hbm:s3], $0xF7A  }
0x26: {  	[smem:$0x3F9F] =	sst s1;
	(tag) =	ssettag s2;
	_ =	strace s9  }
0x27: {  	s1 =	sld [smem:$0x3FAF]  }
0x28: {  	s2 =	sld [smem:$0x3FB0]  }
0x29: {  	s4 =	sld [smem:$0x3FB2]  }
0x2a: {  	p0 =	seq.s32 s5, $0x0;
	s5 =	sld [smem:$0x3FB3]  }
0x2b: {  	s6 =	sld [smem:$0x3FB4]  }
0x2c: {  	s7 =	sld [smem:$0x3FB5]  }
0x2d: {  	s3 =	simm.s32 $0x108;
	s8 =	sld [smem:$0x3FB6]  }
0x2e: {  	s3 =	simm.s32 @!p0 $0x1082;
	s9 =	sld [smem:$0x3FB7]  }
0x2f: {  	lr =	sadd.s32 s0, s3;
	s0 =	sld [smem:$0x3FAE]  }
0x30: {  	s3 =	sld [smem:$0x3FB1]  }
0x31: {  	[smem:$0x3FBA] =	sst s10  }
0x32: {  	s10 =	sld [smem:$0x3FB8];
	_ =	sdelay $0x3  }
0x33: {  	p0 =	seq.s32 s10, $0x1;
	s10 =	sld [smem:$0x3FBA];
	_ =	sdelay $0x3  }
0x34: {  	[smem:$0x3FBA] =	sst s10  }
0x35: {  	s10 =	sld [smem:$0x3FB9];
	_ =	sdelay $0x3  }
0x36: {  	p1 =	seq.s32 s10, $0x1;
	s10 =	sld [smem:$0x3FBA];
	_ =	sdelay $0x3  }
0x37: {  	[smem:$0x3FBA] =	sst s10  }
0x38: {  	s10 =	sld [smem:$0x3FBB]  }
0x39: {  	_ = 	snop;
	(pc) =	sbr.ind lr, $3  }
0x3a: {  	_ = 	snop  }
0x3b: {  	_ = 	snop  }
0x3c: {  	p2 =	seq.s32 s10, $0x1;
	s10 =	sld [smem:$0x3FBA]  }
0x3d: {  	_ =	shalt  }
0x3e: {  	_ =	shalt  }
0x3f: {  	_ =	shalt  }
0x40: {  	_ =	shalt  }
0x41: {  	_ =	shalt  }
0x42: {  	_ =	shalt  }
0x43: {  	_ =	shalt  }
0x44: {  	_ =	shalt  }
0x45: {  	_ =	shalt  }
0x46: {  	_ =	shalt  }
0x47: {  	_ =	shalt  }
0x48: {  	_ =	shalt  }
0x49: {  	_ =	shalt  }
0x4a: {  	_ =	shalt  }
0x4b: {  	_ =	shalt  }
0x4c: {  	_ =	shalt  }
0x4d: {  	_ =	shalt  }
0x4e: {  	_ =	shalt  }
0x4f: {  	_ =	shalt  }
0x50: {  	_ =	shalt  }
0x51: {  	_ =	shalt  }
0x52: {  	_ =	shalt  }
0x53: {  	_ =	shalt  }
0x54: {  	_ =	shalt  }
0x55: {  	_ =	shalt  }
0x56: {  	_ =	shalt  }
0x57: {  	_ =	shalt  }
0x58: {  	_ =	shalt  }
0x59: {  	_ =	shalt  }
0x5a: {  	_ =	shalt  }
0x5b: {  	_ =	shalt  }
0x5c: {  	_ =	shalt  }
0x5d: {  	_ =	shalt  }
0x5e: {  	_ =	shalt  }
0x5f: {  	_ =	shalt  }
0x60: {  	_ =	shalt  }
0x61: {  	_ =	shalt  }
0x62: {  	_ =	shalt  }
0x63: {  	_ =	shalt  }
0x64: {  	_ =	shalt  }
0x65: {  	_ =	shalt  }
0x66: {  	_ =	shalt  }
0x67: {  	_ =	shalt  }
0x68: {  	_ =	shalt  }
0x69: {  	_ =	shalt  }
0x6a: {  	_ =	shalt  }
0x6b: {  	_ =	shalt  }
0x6c: {  	_ =	shalt  }
0x6d: {  	_ =	shalt  }
0x6e: {  	_ =	shalt  }
0x6f: {  	_ =	shalt  }
0x70: {  	_ =	shalt  }
0x71: {  	_ =	shalt  }
0x72: {  	_ =	shalt  }
0x73: {  	_ =	shalt  }
0x74: {  	_ =	shalt  }
0x75: {  	_ =	shalt  }
0x76: {  	_ =	shalt  }
0x77: {  	_ =	shalt  }
0x78: {  	_ =	shalt  }
0x79: {  	_ =	shalt  }
0x7a: {  	_ =	shalt  }
0x7b: {  	_ =	shalt  }
0x7c: {  	_ =	shalt  }
0x7d: {  	_ =	shalt  }
0x7e: {  	_ =	shalt  }
0x7f: {  	_ =	shalt  }
0x80: {  	_ =	shalt  }
0x81: {  	_ =	shalt  }
0x82: {  	_ =	shalt  }
0x83: {  	_ =	shalt  }
0x84: {  	_ =	shalt  }
0x85: {  	_ =	shalt  }
0x86: {  	_ =	shalt  }
0x87: {  	_ =	shalt  }
.Lfunc_end0:
.L_simem_size_0:
called_computation_lowered:
.L_overlay_start_0:
0x88: {  	s2 =	sld [smem:$0x3FD9]  }
0x89: {  	s3 =	sld [smem:$0x3FFE];
	_ =	sdelay $0x1  }
0x8a: {  	s1 =	srdreg.scid  }
0x8b: {  	s0 =	sand.u32 $0x1, s1  }
0x8c: {  	s18 =	sshll.u32 s0, $0xA;
	s2 =	sadd.s32 s3, s2  }
0x8d: {  	s2 =	sadd.s32 s2, s18  }
0x8e: {  	[smem:$0x3FC6] =	sst s2  }
0x8f: {  	_ = 	snop  }
0x90: {  	s2 =	sld [smem:$0x3FC9]  }
0x91: {  	s19 =	sld [smem:$0x3FC8]  }
0x92: {  	s4 =	sld [smem:$0x3FD0];
	(tm) =	ssettm $0x1  }
0x93: {  	s5 =	sld [smem:$0x3FFB];
	_ =	sdelay $0x3  }
0x94: {  	_ =	strace s5  }
0x95: {  	s5 =	sld [smem:$0x3FFC];
	_ =	sdelay $0x3  }
0x96: {  	_ =	strace s5  }
0x97: {  	s5 =	sld [smem:$0x3FFD];
	_ =	sdelay $0x3  }
0x98: {  	_ =	strace s5  }
0x99: {  	_ =	strace $0x8FFFFFFF  }
0x9a: {  	s20 =	sld [smem:$0x3FDB];
	_ =	sdelay $0x1  }
0x9b: {  	s6 =	simm.s32 $_scs_section_size  }
0x9c: {  	s7 =	simm.s32 $_size__tile_overlayer_lowered;
	s8 =	simm.s32 $_tile_overlayer_lowered  }
0x9d: {  	s23 =	simm.s32 $0x1BFF;
	s22 =	sshll.u32 s8, $0x1;
	s5 =	sadd.s32 s6, s20  }
0x9e: {  	s9 =	simm.s32 $0x0;
	s21 =	sshll.u32 s7, $0x1;
	s7 =	sadd.s32 s22, s5  }
0x9f: {  	[timem:s9], [sflag:s23] =	dma.local [hbm:s7], s21  }
0xa0: {  	_ =	swait.ge [sflag:s23], s21  }
0xa1: {  	s6 =	ssub.s32 $0x0, s21;
	[sflag:s23] =	ssyncset.done $0x0  }
0xa2: {  	[sflag:s23] =	ssyncadd.s32 s6;
	_ =	sdelay $0x1  }
0xa3: {  	s24 =	simm.s32 $0x1B8B  }
0xa4: {  	_ =	swait.ge [sflag:s24], $0x1  }
0xa5: {  	[sflag:s24] =	ssyncset.done $0x0  }
0xa6: {  	s25 =	simm.s32 $0x1B8E;
	[sflag:s24] =	ssyncadd.s32 $0xFFFFFFFF  }
0xa7: {  	s26 =	simm.s32 $execute0_lowered;
	[smem:$0x3FD2] =	sst s25  }
0xa8: {  	s6 =	sshll.u32 s26, $0x1;
	_ =	strace $0x80000046;
	[dreg:$0x1] =	wrdreg $0xFFFFFFFF  }
0xa9: {  	s28 =	simm.s32 $_size_execute0_lowered;
	s5 =	sadd.s32 s5, s6;
	[dreg:$0x0] =	wrdreg $0x0  }
0xaa: {  	s6 =	sshll.u32 s28, $0x1;
	[dreg:$0x2] =	wrdreg s5  }
0xab: {  	[dreg:$0x3] =	wrdreg s6  }
0xac: {  	[dreg:$0x4] =	wrdreg $0xC0  }
0xad: {  	_ =	task [dreg:s9], $0x5FFFF  }
0xae: {  	[dreg:$0x1] =	wrdreg $0xFFFFFFFF  }
0xaf: {  	[dreg:$0x0] =	wrdreg $0x60  }
0xb0: {  	[dreg:$0x2] =	wrdreg s2  }
0xb1: {  	[dreg:$0x3] =	wrdreg s19  }
0xb2: {  	[dreg:$0x4] =	wrdreg s4  }
0xb3: {  	[dreg:$0x5] =	wrdreg $0x9  }
0xb4: {  	_ =	task.clear_ibuf [dreg:s9], $0x6FFFF;
	_ =	strace $0x90000046  }
0xb5: {  	s29 =	simm.s32 $0x9;
	_ =	strace $0x80000048  }
0xb6: {  	_ =	swait.ge [sflag:s29], $0x1  }
0xb7: {  	[sflag:s29] =	ssyncadd.s32 $0xFFFFFFFF  }
0xb8: {  	_ =	strace $0x90000048  }
0xb9: {  	_ =	sfence  }
0xba: {  	s30 =	sld [smem:$0x0];
	_ =	sdelay $0x2  }
0xbb: {  	s31 =	sshll.u32 s1, $0xD;
	s1 =	sshrl.u32 s1, $0x2  }
0xbc: {  	s3 =	sand.u32 $0x4000, s31;
	s1 =	sadd.s32 s1, s30  }
0xbd: {  	s0 =	sor.u32 s3, s0;
	s1 =	sshll.u32 s1, $0x11  }
0xbe: {  	s0 =	sor.u32 s1, s0  }
0xbf: {  	s0 =	sadd.s32 $0x8F2B, s0  }
0xc0: {  	[sflag:s0] =	ssyncadd.remote.s32 $0x1  }
0xc1: {  	_ =	sfence.sel $0xFFFF  }
0xc2: {  	[dreg:$0x0] =	wrdreg $0xFFFFFFFF;
	(pc) =	sbr.abs _section_cstart, $3  }
0xc3: {  	[dreg:$0x1] =	wrdreg $0xFFFFFFFF  }
0xc4: {  	_ =	task.clear_ibuf [dreg:s9], $0x2FFFF;
	_ =	strace $0x9FFFFFFF  }
0xc5: {  	(tm) =	ssettm $0x7FFFFFFF  }
tec
execute0_lowered:
.L_overlay_start_1:
0x0: {  	(tag) =	ssettag $0x1  }
0x1: {  	s1 =	srdreg.scid  }
0x2: {  	s0 =	stileid.u32;
	s29 =	sand.u32 $0x1, s1  }
0x3: {  	s2 =	rddreg [dreg:$0x0];
	s4 =	sshll.u32 s0, $0xA;
	s5 =	sshll.u32 s29, $0x9  }
0x4: {  	s8 =	rddreg [dreg:$0x1];
	s3 =	simm.s32 $0x0;
	s15 =	sor.u32 s5, s4  }
0x5: {  	[smem:$0x7FF] =	sst s3;
	s4 =	sshrl.u32 s15, $0x3  }
0x6: {  	s25 =	rddreg [dreg:$0x2];
	_ =	strace $0x80000047;
	s4 =	sadd.s32 s8, s4  }
0x7: {  	s5 =	simm.s32 $0x80;
	s19 =	sor.u32 $0x80, s15;
	[dreg:$0x4] =	wrdreg s4  }
0x8: {  	s23 =	sor.u32 $0x100, s15;
	s26 =	sshrl.u32 s19, $0x3;
	s24 =	rddreg [dreg:$0x4]  }
0x9: {  	[tilespmem:s3], [sflag:$0x1] =	stream.linear.gather [hbm4b:s24+s3], $0x80, $0x38;
	[tilespmem:$0x10200] =	vst v63  }
0xa: {  	s6 =	sshrl.u32 s23, $0x3;
	s4 =	sadd.s32 s8, s26;
	s26 =	sor.u32 $0x180, s15  }
0xb: {  	[tilespmem:s5], [sflag:$0x2] =	stream.linear.gather [hbm4b:s4+s3], $0x80, $0x38;
	[tilespmem:$0x10200] =	vst v63  }
0xc: {  	s7 =	simm.s32 $0x100;
	s6 =	sadd.s32 s8, s6;
	s9 =	sshrl.u32 s26, $0x3  }
0xd: {  	[tilespmem:s7], [sflag:$0x3] =	stream.linear.gather [hbm4b:s6+s3], $0x80, $0x38;
	[tilespmem:$0x10200] =	vst v63  }
0xe: {  	s10 =	simm.s32 $0x1;
	s8 =	sadd.s32 s8, s9;
	s9 =	simm.s32 $0x180  }
0xf: {  	[tilespmem:s9], [sflag:$0x4] =	stream.linear.gather [hbm4b:s8+s3], $0x80, $0x38;
	[tilespmem:$0x10200] =	vst v63  }
0x10: {  	_ =	swait.ge [sflag:s10], $0x80  }
0x11: {  	[sflag:s10] =	ssyncset.done $0x0  }
0x12: {  	s11 =	simm.s32 $0x200;
	s12 =	simm.s32 $0x2;
	[sflag:s10] =	ssyncadd.s32 $0xFFFFFF80  }
0x13: {  	[tilespmem:s11], [sflag:$0x5] =	stream.indirect.gather [hbm4b:s2+s5], $0x80, s3, s5, $0xb8;
	[tilespmem:$0x10200] =	vst v63  }
0x14: {  	_ =	swait.ge [sflag:s12], $0x80  }
0x15: {  	[sflag:s12] =	ssyncset.done $0x0  }
0x16: {  	s13 =	simm.s32 $0x4200;
	s14 =	simm.s32 $0x5;
	[sflag:s12] =	ssyncadd.s32 $0xFFFFFF80  }
0x17: {  	[tilespmem:s13], [sflag:$0x6] =	stream.indirect.gather [hbm4b:s2+s5], $0x80, s5, s5, $0xb8;
	[tilespmem:$0x10200] =	vst v63  }
0x18: {  	_ =	swait.ge [sflag:s14], $0x4000  }
0x19: {  	s15 =	sshll.u32 s15, $0x4;
	[sflag:s14] =	ssyncset.done $0x0  }
0x1a: {  	s16 =	simm.s32 $0x3;
	s15 =	sadd.s32 s25, s15;
	[sflag:s14] =	ssyncadd.s32 $0xFFFFC000  }
0x1b: {  	[hbm4b:s15+s3] =	stream.linear.scatter [tilespmem:s11], [sflag:$0x9], $0x4000, $0x38;
	[tilespmem:$0x10200] =	vst v63  }
0x1c: {  	_ =	swait.ge [sflag:s16], $0x80  }
0x1d: {  	[sflag:s16] =	ssyncset.done $0x0  }
0x1e: {  	s17 =	simm.s32 $0x8200;
	s18 =	simm.s32 $0x6;
	[sflag:s16] =	ssyncadd.s32 $0xFFFFFF80  }
0x1f: {  	[tilespmem:s17], [sflag:$0x7] =	stream.indirect.gather [hbm4b:s2+s5], $0x80, s7, s5, $0xb8;
	[tilespmem:$0x10200] =	vst v63  }
0x20: {  	_ =	swait.ge [sflag:s18], $0x4000  }
0x21: {  	s19 =	sshll.u32 s19, $0x4;
	[sflag:s18] =	ssyncset.done $0x0  }
0x22: {  	s20 =	simm.s32 $0x4;
	s19 =	sadd.s32 s25, s19;
	[sflag:s18] =	ssyncadd.s32 $0xFFFFC000  }
0x23: {  	[hbm4b:s19+s3] =	stream.linear.scatter [tilespmem:s13], [sflag:$0xA], $0x4000, $0x38;
	[tilespmem:$0x10200] =	vst v63  }
0x24: {  	_ =	swait.ge [sflag:s20], $0x80  }
0x25: {  	[sflag:s20] =	ssyncset.done $0x0  }
0x26: {  	s21 =	simm.s32 $0xC200;
	s22 =	simm.s32 $0x7;
	[sflag:s20] =	ssyncadd.s32 $0xFFFFFF80  }
0x27: {  	[tilespmem:s21], [sflag:$0x8] =	stream.indirect.gather [hbm4b:s2+s5], $0x80, s9, s5, $0xb8;
	[tilespmem:$0x10200] =	vst v63  }
0x28: {  	_ =	swait.ge [sflag:s22], $0x4000  }
0x29: {  	s23 =	sshll.u32 s23, $0x4;
	[sflag:s22] =	ssyncset.done $0x0  }
0x2a: {  	s23 =	sadd.s32 s25, s23;
	s24 =	simm.s32 $0x8;
	[sflag:s22] =	ssyncadd.s32 $0xFFFFC000  }
0x2b: {  	[hbm4b:s23+s3] =	stream.linear.scatter [tilespmem:s17], [sflag:$0xB], $0x4000, $0x38;
	[tilespmem:$0x10200] =	vst v63  }
0x2c: {  	_ =	swait.ge [sflag:s24], $0x4000  }
0x2d: {  	s26 =	sshll.u32 s26, $0x4;
	[sflag:s24] =	ssyncset.done $0x0  }
0x2e: {  	s25 =	sadd.s32 s25, s26;
	s26 =	simm.s32 $0x9;
	[sflag:s24] =	ssyncadd.s32 $0xFFFFC000  }
0x2f: {  	[hbm4b:s25+s3] =	stream.linear.scatter [tilespmem:s21], [sflag:$0xC], $0x4000, $0x38;
	[tilespmem:$0x10200] =	vst v63  }
0x30: {  	s30 =	ssub.s32 $0x2, s29;
	_ =	swait.ge [sflag:s26], $0x4000  }
0x31: {  	s31 =	sshrl.u32 s30, $0x1;
	[sflag:s26] =	ssyncset.done $0x0  }
0x32: {  	s28 =	simm.s32 $0xA;
	s30 =	ssub.s32 s30, s31;
	[sflag:s26] =	ssyncadd.s32 $0xFFFFC000  }
0x33: {  	s31 =	smax.u32 s30, $0x1;
	_ =	swait.ge [sflag:s28], $0x4000  }
0x34: {  	p0 =	sne.s32 s31, $0x1;
	[sflag:s28] =	ssyncset.done $0x0  }
.Ltmp0:
0x35: {  	s29 =	simm.s32 $0xB;
	[sflag:s28] =	ssyncadd.s32 $0xFFFFC000;
	(pc) =	sbr.rel @!p0 .LBB2_2-.Ltmp0, $4  }
0x36: {  	_ =	swait.ge [sflag:s29], $0x4000  }
0x37: {  	[sflag:s29] =	ssyncset.done $0x0  }
0x38: {  	s30 =	simm.s32 $0xC;
	[sflag:s29] =	ssyncadd.s32 $0xFFFFC000  }
0x39: {  	s31 =	sadd.s32 $0xFFFFFFFF, s31;
	_ =	swait.ge [sflag:s30], $0x4000  }
.LBB2_1:
0x3a: {  	[sflag:s30] =	ssyncset.done $0x0  }
0x3b: {  	s1 =	rddreg [dreg:$0x4];
	[sflag:s30] =	ssyncadd.s32 $0xFFFFC000  }
0x3c: {  	[tilespmem:s3], [sflag:$0x1] =	stream.linear.gather [hbm4b:s1+s3], $0x80, $0x38;
	[tilespmem:$0x10200] =	vst v63  }
0x3d: {  	_ = 	snop  }
0x3e: {  	[tilespmem:s5], [sflag:$0x2] =	stream.linear.gather [hbm4b:s4+s3], $0x80, $0x38;
	[tilespmem:$0x10200] =	vst v63  }
0x3f: {  	_ = 	snop  }
0x40: {  	[tilespmem:s7], [sflag:$0x3] =	stream.linear.gather [hbm4b:s6+s3], $0x80, $0x38;
	[tilespmem:$0x10200] =	vst v63  }
0x41: {  	_ = 	snop  }
0x42: {  	[tilespmem:s9], [sflag:$0x4] =	stream.linear.gather [hbm4b:s8+s3], $0x80, $0x38;
	[tilespmem:$0x10200] =	vst v63  }
0x43: {  	_ =	swait.ge [sflag:s10], $0x80  }
0x44: {  	[sflag:s10] =	ssyncset.done $0x0  }
0x45: {  	[sflag:s10] =	ssyncadd.s32 $0xFFFFFF80  }
0x46: {  	[tilespmem:s11], [sflag:$0x5] =	stream.indirect.gather [hbm4b:s2+s5], $0x80, s3, s5, $0xb8;
	[tilespmem:$0x10200] =	vst v63  }
0x47: {  	_ =	swait.ge [sflag:s12], $0x80  }
0x48: {  	[sflag:s12] =	ssyncset.done $0x0  }
0x49: {  	[sflag:s12] =	ssyncadd.s32 $0xFFFFFF80  }
0x4a: {  	[tilespmem:s13], [sflag:$0x6] =	stream.indirect.gather [hbm4b:s2+s5], $0x80, s5, s5, $0xb8;
	[tilespmem:$0x10200] =	vst v63  }
0x4b: {  	_ =	swait.ge [sflag:s14], $0x4000  }
0x4c: {  	[sflag:s14] =	ssyncset.done $0x0  }
0x4d: {  	[sflag:s14] =	ssyncadd.s32 $0xFFFFC000  }
0x4e: {  	[hbm4b:s15+s3] =	stream.linear.scatter [tilespmem:s11], [sflag:$0x9], $0x4000, $0x38;
	[tilespmem:$0x10200] =	vst v63  }
0x4f: {  	_ =	swait.ge [sflag:s16], $0x80  }
0x50: {  	[sflag:s16] =	ssyncset.done $0x0  }
0x51: {  	[sflag:s16] =	ssyncadd.s32 $0xFFFFFF80  }
0x52: {  	[tilespmem:s17], [sflag:$0x7] =	stream.indirect.gather [hbm4b:s2+s5], $0x80, s7, s5, $0xb8;
	[tilespmem:$0x10200] =	vst v63  }
0x53: {  	_ =	swait.ge [sflag:s18], $0x4000  }
0x54: {  	[sflag:s18] =	ssyncset.done $0x0  }
0x55: {  	[sflag:s18] =	ssyncadd.s32 $0xFFFFC000  }
0x56: {  	[hbm4b:s19+s3] =	stream.linear.scatter [tilespmem:s13], [sflag:$0xA], $0x4000, $0x38;
	[tilespmem:$0x10200] =	vst v63  }
0x57: {  	_ =	swait.ge [sflag:s20], $0x80  }
0x58: {  	[sflag:s20] =	ssyncset.done $0x0  }
0x59: {  	[sflag:s20] =	ssyncadd.s32 $0xFFFFFF80  }
0x5a: {  	[tilespmem:s21], [sflag:$0x8] =	stream.indirect.gather [hbm4b:s2+s5], $0x80, s9, s5, $0xb8;
	[tilespmem:$0x10200] =	vst v63  }
0x5b: {  	_ =	swait.ge [sflag:s22], $0x4000  }
0x5c: {  	[sflag:s22] =	ssyncset.done $0x0  }
0x5d: {  	[sflag:s22] =	ssyncadd.s32 $0xFFFFC000  }
0x5e: {  	[hbm4b:s23+s3] =	stream.linear.scatter [tilespmem:s17], [sflag:$0xB], $0x4000, $0x38;
	[tilespmem:$0x10200] =	vst v63  }
0x5f: {  	_ =	swait.ge [sflag:s24], $0x4000  }
0x60: {  	[sflag:s24] =	ssyncset.done $0x0  }
0x61: {  	[sflag:s24] =	ssyncadd.s32 $0xFFFFC000  }
0x62: {  	[hbm4b:s25+s3] =	stream.linear.scatter [tilespmem:s21], [sflag:$0xC], $0x4000, $0x38;
	[tilespmem:$0x10200] =	vst v63  }
0x63: {  	_ =	swait.ge [sflag:s26], $0x4000  }
0x64: {  	[sflag:s26] =	ssyncset.done $0x0  }
0x65: {  	[sflag:s26] =	ssyncadd.s32 $0xFFFFC000  }
0x66: {  	_ =	swait.ge [sflag:s28], $0x4000  }
0x67: {  	p0 =	sne.s32 s31, $0x1;
	[sflag:s28] =	ssyncset.done $0x0  }
.Ltmp1:
0x68: {  	[sflag:s28] =	ssyncadd.s32 $0xFFFFC000;
	(pc) =	sbr.rel @p0 .LBB2_1-.Ltmp1, $4  }
0x69: {  	_ =	swait.ge [sflag:s29], $0x4000  }
0x6a: {  	[sflag:s29] =	ssyncset.done $0x0  }
0x6b: {  	[sflag:s29] =	ssyncadd.s32 $0xFFFFC000  }
0x6c: {  	s31 =	sadd.s32 $0xFFFFFFFF, s31;
	_ =	swait.ge [sflag:s30], $0x4000  }
.LBB2_2:
0x6d: {  	[sflag:s30] =	ssyncset.done $0x0  }
0x6e: {  	[sflag:s30] =	ssyncadd.s32 $0xFFFFC000  }
0x6f: {  	_ =	sfence.sel $0x180000  }
0x70: {  	[bflag:$0x0] =	sbarrier.arrive $0xFFFF  }
0x71: {  	_ =	strace $0x90000047  }
0x72: {  	[bflag:$0x2] =	sbarrier.arrive $0xFFFF  }
0x73: {  	p0 =	sne.s32 s0, $0x0;
	s0 =	rddreg [dreg:$0x3]  }
0x74: {  	s0 =	sadd.s32 @!p0 $0x100000, s0  }
0x75: {  	[sflag:s0] =	ssyncadd.tile.s32 @!p0 $0x1;
	_ =	shalt  }
.Lfunc_end2:
_tile_overlayer_lowered:
.L_overlay_start_2:
0x76: {  	(tag) =	ssettag $0x2  }
0x77: {  	s0 =	rddreg [dreg:$0x0];
	s2 =	stileid.u32  }
0x78: {  	s1 =	rddreg [dreg:$0x1];
	p0 =	sne.s32 s2, $0x0  }
0x79: {  	s3 =	rddreg [dreg:$0x2];
	[bflag:$0x3] =	sbarrier.arrive $0xFFFF;
	s2 =	simm.s32 @!p0 $0x1C0D  }
0x7a: {  	[timem:s3], [sflag:s2] =	dma.local @!p0 [hbm:s0], s1  }
0x7b: {  	s0 =	simm.s32 @!p0 $0xD  }
0x7c: {  	_ =	swait.ge @!p0 [sflag:s0], s1  }
0x7d: {  	s1 =	ssub.s32 @!p0 $0x0, s1;
	[sflag:s0] =	ssyncset.done @!p0 $0x0  }
0x7e: {  	[sflag:s0] =	ssyncadd.s32 @!p0 s1  }
0x7f: {  	[bflag:$0x3] =	sbarrier.arrive $0xFFFF  }
0x80: {  	_ =	shalt  }

</sc_bundles>
